<compile_context>
chip_gen: v7x
topology: tpu7x:2x2x1
jax: 0.10.2.dev20260603
libtpu: 0.0.44.dev20260713+nightly
codegen_flags: <defaults>
</compile_context>

<pallas_src>
import functools

import jax
import jax.numpy as jnp
from jax import lax
from jax.experimental import pallas as pl
from jax.experimental.pallas import tpu as pltpu
from jax.experimental.pallas import tpu_sc as plsc

NSP = 10240
D = 128
EAW = 16
NC = 2
NSC = 16
SL = NSP // NSC
CH = 128
NEG = -3.0e38

f32 = jnp.float32
i32 = jnp.int32


def _mesh():
  return plsc.VectorSubcoreMesh(core_axis_name="c", subcore_axis_name="s",
                                num_cores=NC, num_subcores=NSC)


_SC_PARAMS = pltpu.CompilerParams(needs_layout_passes=False)


def _leaky(x):
  return jnp.where(x >= 0, x, 0.2 * x)


def _lane_iota():
  return lax.iota(i32, 16)


def _seg_max(arr, idx16, val16):
  def body(_):
    g = plsc.load_gather(arr, [idx16])
    need = val16 > g
    plsc.store_scatter(arr, [idx16], jnp.maximum(g, val16), mask=need)
    return jnp.any(need)
  lax.while_loop(lambda c: c, body, jnp.any(val16 > plsc.load_gather(arr, [idx16])))


def _seg_add(arr, aux, idx16, val16):
  lid = _lane_iota()
  def cond(pending):
    return jnp.any(pending)
  def body(pending):
    plsc.store_scatter(aux, [idx16], lid, mask=pending)
    win = (plsc.load_gather(aux, [idx16]) == lid) & pending
    g = plsc.load_gather(arr, [idx16])
    plsc.store_scatter(arr, [idx16], g + val16, mask=win)
    return pending & jnp.logical_not(win)
  lax.while_loop(cond, body, jnp.ones((16,), jnp.bool_))


def _fill1d(ref, n, value):
  def b(i, c):
    ref[pl.ds(i * 16, 16)] = jnp.full((16,), value, f32)
    return c
  lax.fori_loop(0, n // 16, b, 0)


def _merge_tiles(part_sh, macc, mtmp, moff, op):
  pltpu.sync_copy(part_sh.at[0, pl.ds(moff, SL)], macc)
  def mb(j, c):
    pltpu.sync_copy(part_sh.at[j, pl.ds(moff, SL)], mtmp)
    def vb(i, c2):
      a = macc[pl.ds(i * 16, 16)]
      b = mtmp[pl.ds(i * 16, 16)]
      macc[pl.ds(i * 16, 16)] = op(a, b)
      return c2
    lax.fori_loop(0, SL // 16, vb, 0)
    return c
  lax.fori_loop(1, NSC, mb, 0)



@functools.partial(jax.jit, static_argnames=("ne",))
def _k_soft(po, q, src, dst, ne):
  epw = ne // NSC
  chk = 2000
  nchk = epw // chk

  def body(po_h, q_h, src_h, dst_h, m_h, r_h, att_h,
           po_v, dst_v, e_v, acc_v, aux_v, m_v, r_v, srcc, qc, macc, mtmp,
           part_sh, m_sh, r_sh):
    cid = lax.axis_index("c")
    sid = lax.axis_index("s")
    base = sid * epw
    moff = sid * SL
    pltpu.sync_copy(po_h, po_v)
    pltpu.sync_copy(dst_h.at[pl.ds(base, epw)], dst_v)
    _fill1d(acc_v, NSP, NEG)

    def chunk(k, c):
      cb = base + k * chk
      pltpu.sync_copy(src_h.at[pl.ds(cb, chk)], srcc)
      pltpu.sync_copy(q_h.at[pl.ds(cb, chk)], qc)
      def vb(i, c2):
        s16 = srcc[pl.ds(i * 16, 16)]
        q16 = qc[pl.ds(i * 16, 16)]
        e16 = _leaky(plsc.load_gather(po_v, [s16]) + q16)
        off = k * chk + i * 16
        e_v[pl.ds(off, 16)] = e16
        d16 = dst_v[pl.ds(off, 16)]
        _seg_max(acc_v, d16, e16)
        return c2
      lax.fori_loop(0, chk // 16, vb, 0)
      return c
    lax.fori_loop(0, nchk, chunk, 0)

    pltpu.sync_copy(acc_v, part_sh.at[sid])
    plsc.subcore_barrier()
    _merge_tiles(part_sh, macc, mtmp, moff, jnp.maximum)
    pltpu.sync_copy(macc, m_sh.at[pl.ds(moff, SL)])
    @pl.when(cid == 0)
    def _():
      pltpu.sync_copy(macc, m_h.at[pl.ds(moff, SL)])
    plsc.subcore_barrier()
    pltpu.sync_copy(m_sh, m_v)
    _fill1d(acc_v, NSP, 0.0)

    def vb2(i, c):
      e16 = e_v[pl.ds(i * 16, 16)]
      d16 = dst_v[pl.ds(i * 16, 16)]
      ex = jnp.exp(e16 - plsc.load_gather(m_v, [d16]))
      plsc.addupdate_scatter(acc_v, [d16], ex)
      return c
    lax.fori_loop(0, epw // 16, vb2, 0)

    pltpu.sync_copy(acc_v, part_sh.at[sid])
    plsc.subcore_barrier()
    _merge_tiles(part_sh, macc, mtmp, moff, jnp.add)
    def vb3(i, c):
      macc[pl.ds(i * 16, 16)] = 1.0 / (macc[pl.ds(i * 16, 16)] + 1e-9)
      return c
    lax.fori_loop(0, SL // 16, vb3, 0)
    pltpu.sync_copy(macc, r_sh.at[pl.ds(moff, SL)])
    @pl.when(cid == 0)
    def _():
      pltpu.sync_copy(macc, r_h.at[pl.ds(moff, SL)])
    plsc.subcore_barrier()
    pltpu.sync_copy(r_sh, r_v)

    def vb4(i, c):
      e16 = e_v[pl.ds(i * 16, 16)]
      d16 = dst_v[pl.ds(i * 16, 16)]
      mg = plsc.load_gather(m_v, [d16])
      rg = plsc.load_gather(r_v, [d16])
      e_v[pl.ds(i * 16, 16)] = jnp.exp(e16 - mg) * rg
      return c
    lax.fori_loop(0, epw // 16, vb4, 0)
    @pl.when(cid == 0)
    def _():
      pltpu.sync_copy(e_v, att_h.at[pl.ds(base, epw)])

  return pl.kernel(
      body,
      out_type=(jax.ShapeDtypeStruct((NSP,), f32),
                jax.ShapeDtypeStruct((NSP,), f32),
                jax.ShapeDtypeStruct((ne,), f32)),
      mesh=_mesh(),
      compiler_params=_SC_PARAMS,
      scratch_types=[
          pltpu.VMEM((NSP,), f32),
          pltpu.VMEM((epw,), i32),
          pltpu.VMEM((epw,), f32),
          pltpu.VMEM((NSP,), f32),
          pltpu.VMEM((NSP,), i32),
          pltpu.VMEM((NSP,), f32),
          pltpu.VMEM((NSP,), f32),
          pltpu.VMEM((chk,), i32),
          pltpu.VMEM((chk,), f32),
          pltpu.VMEM((SL,), f32),
          pltpu.VMEM((SL,), f32),
          pltpu.VMEM_SHARED((NSC, NSP), f32),
          pltpu.VMEM_SHARED((NSP,), f32),
          pltpu.VMEM_SHARED((NSP,), f32),
      ],
  )(po, q, src, dst)



@functools.partial(jax.jit, static_argnames=("ne",))
def _k_deg(src, ne):
  epw = ne // NSC

  def body(src_h, deg_h, src_v, acc_v, aux_v, macc, mtmp, part_sh):
    cid = lax.axis_index("c")
    sid = lax.axis_index("s")
    moff = sid * SL
    pltpu.sync_copy(src_h.at[pl.ds(sid * epw, epw)], src_v)
    _fill1d(acc_v, NSP, 0.0)
    ones = jnp.ones((16,), f32)
    def vb(i, c):
      s16 = src_v[pl.ds(i * 16, 16)]
      plsc.addupdate_scatter(acc_v, [s16], ones)
      return c
    lax.fori_loop(0, epw // 16, vb, 0)
    pltpu.sync_copy(acc_v, part_sh.at[sid])
    plsc.subcore_barrier()
    _merge_tiles(part_sh, macc, mtmp, moff, jnp.add)
    @pl.when(cid == 0)
    def _():
      pltpu.sync_copy(macc, deg_h.at[pl.ds(moff, SL)])

  return pl.kernel(
      body,
      out_type=jax.ShapeDtypeStruct((NSP,), f32),
      mesh=_mesh(),
      compiler_params=_SC_PARAMS,
      scratch_types=[
          pltpu.VMEM((epw,), i32),
          pltpu.VMEM((NSP,), f32),
          pltpu.VMEM((NSP,), i32),
          pltpu.VMEM((SL,), f32),
          pltpu.VMEM((SL,), f32),
          pltpu.VMEM_SHARED((NSC, NSP), f32),
      ],
  )(src)



@functools.partial(jax.jit, static_argnames=("ne",))
def _k_heavy(src, dst, att, p_tab, ea2, ne):
  chh = 64
  epc = ne // NC
  nch = epc // chh
  ipt = (nch + NSC - 1) // NSC
  npair = (ipt + 1) // 2

  def body(src_h, dst_h, att_h, p_h, ea2_h, aggp_h, *scr):
    (src_c, dstw, att_c, rows, erows, sems, esems, acc_sh) = (
        scr[0:2], scr[2:4], scr[4:6], scr[6:8], scr[8:10], scr[10:12],
        scr[12:14], scr[14])
    cid = lax.axis_index("c")
    sid = lax.axis_index("s")
    moff = sid * SL

    def zb(j, c):
      for f in range(D // 16):
        rows[0][j, pl.ds(f * 16, 16)] = jnp.zeros((16,), f32)
      return c
    lax.fori_loop(0, chh, zb, 0)
    for blk in range(SL // chh):
      pltpu.sync_copy(rows[0], acc_sh.at[pl.ds(moff + blk * chh, chh)])
    plsc.subcore_barrier()

    def issue(b, k):
      @pl.when(k < nch)
      def _():
        ebase = cid * epc + k * chh
        pltpu.sync_copy(src_h.at[pl.ds(ebase, chh)], src_c[b])
        pltpu.sync_copy(dst_h.at[pl.ds(ebase, chh)], dstw[b].at[0])
        pltpu.sync_copy(att_h.at[pl.ds(ebase, chh)], att_c[b])
        pltpu.async_copy(p_h.at[src_c[b]], rows[b], sems[b])
        pltpu.async_copy(ea2_h.at[pl.ds(ebase, chh)], erows[b], esems[b])

    def finish(b, k):
      @pl.when(k < nch)
      def _():
        pltpu.make_async_copy(p_h.at[src_c[b]], rows[b], sems[b]).wait()
        pltpu.make_async_copy(ea2_h.at[pl.ds(0, chh)], erows[b], esems[b]).wait()
        def sb(j, c2):
          ab16 = plsc.load_gather(att_c[b], [jnp.full((16,), j, i32)])
          for f in range(D // 16):
            rows[b][j, pl.ds(f * 16, 16)] = (
                rows[b][j, pl.ds(f * 16, 16)]
                + erows[b][j, pl.ds(f * 16, 16)]) * ab16
          return c2
        lax.fori_loop(0, chh, sb, 0)
        pltpu.sync_copy(rows[b], acc_sh.at[dstw[b].at[0]], add=True)

    issue(0, sid)
    def pair(i, c):
      k0 = sid + (2 * i) * NSC
      k1 = sid + (2 * i + 1) * NSC
      issue(1, k1)
      finish(0, k0)
      issue(0, sid + (2 * i + 2) * NSC)
      finish(1, k1)
      return c
    lax.fori_loop(0, npair, pair, 0)

    plsc.subcore_barrier()
    pltpu.sync_copy(acc_sh.at[pl.ds(moff, SL)], aggp_h.at[cid, pl.ds(moff, SL)])

  return pl.kernel(
      body,
      out_type=jax.ShapeDtypeStruct((NC, NSP, D), f32),
      mesh=_mesh(),
      compiler_params=_SC_PARAMS,
      scratch_types=[
          pltpu.VMEM((chh,), i32),
          pltpu.VMEM((chh,), i32),
          pltpu.VMEM((1, chh), i32),
          pltpu.VMEM((1, chh), i32),
          pltpu.VMEM((chh,), f32),
          pltpu.VMEM((chh,), f32),
          pltpu.VMEM((chh, D), f32),
          pltpu.VMEM((chh, D), f32),
          pltpu.VMEM((chh, D), f32),
          pltpu.VMEM((chh, D), f32),
          pltpu.SemaphoreType.DMA,
          pltpu.SemaphoreType.DMA,
          pltpu.SemaphoreType.DMA,
          pltpu.SemaphoreType.DMA,
          pltpu.VMEM_SHARED((NSP, D), f32),
      ],
  )(src, dst, att, p_tab, ea2)



@functools.partial(jax.jit, static_argnames=("ne",))
def _k_msg(gidx, sidx, tab, ne):
  epc = ne // NC
  nch = epc // CH
  ipt = (nch + NSC - 1) // NSC

  def body(g_h, s_h, tab_h, out_h, g_c, sw, rows, sem, acc_sh):
    cid = lax.axis_index("c")
    sid = lax.axis_index("s")
    moff = sid * SL
    def zb(j, c):
      for f in range(D // 16):
        rows[j, pl.ds(f * 16, 16)] = jnp.zeros((16,), f32)
      return c
    lax.fori_loop(0, CH, zb, 0)
    for blk in range(SL // CH):
      pltpu.sync_copy(rows, acc_sh.at[pl.ds(moff + blk * CH, CH)])
    plsc.subcore_barrier()

    def chunk(i, c):
      k = sid + i * NSC
      @pl.when(k < nch)
      def _():
        ebase = cid * epc + k * CH
        pltpu.sync_copy(g_h.at[pl.ds(ebase, CH)], g_c)
        pltpu.sync_copy(s_h.at[pl.ds(ebase, CH)], sw.at[0])
        pltpu.async_copy(tab_h.at[g_c], rows, sem).wait()
        pltpu.sync_copy(rows, acc_sh.at[sw.at[0]], add=True)
      return c
    lax.fori_loop(0, ipt, chunk, 0)

    plsc.subcore_barrier()
    pltpu.sync_copy(acc_sh.at[pl.ds(moff, SL)], out_h.at[cid, pl.ds(moff, SL)])

  return pl.kernel(
      body,
      out_type=jax.ShapeDtypeStruct((NC, NSP, D), f32),
      mesh=_mesh(),
      compiler_params=_SC_PARAMS,
      scratch_types=[
          pltpu.VMEM((CH,), i32),
          pltpu.VMEM((1, CH), i32),
          pltpu.VMEM((CH, D), f32),
          pltpu.SemaphoreType.DMA,
          pltpu.VMEM_SHARED((NSP, D), f32),
      ],
  )(gidx, sidx, tab)



@functools.partial(jax.jit, static_argnames=("ne",))
def _k_logits(src, dst, s_tab, o_tab, ne):
  epc = ne // NC
  nch = epc // CH
  ipt = (nch + NSC - 1) // NSC

  def body(src_h, dst_h, s_h, o_h, out_h, src_c, dst_c, srows, orows,
           lg_c, sem1, sem2):
    cid = lax.axis_index("c")
    sid = lax.axis_index("s")
    def chunk(i, c):
      k = sid + i * NSC
      @pl.when(k < nch)
      def _():
        ebase = cid * epc + k * CH
        pltpu.sync_copy(src_h.at[pl.ds(ebase, CH)], src_c)
        pltpu.sync_copy(dst_h.at[pl.ds(ebase, CH)], dst_c)
        cp1 = pltpu.async_copy(o_h.at[src_c], orows, sem1)
        cp2 = pltpu.async_copy(s_h.at[dst_c], srows, sem2)
        cp1.wait()
        cp2.wait()
        lid = _lane_iota()
        def gb(g, c2):
          def jb(jj, out16):
            j = g * 16 + jj
            acc = srows[j, pl.ds(0, 16)] * orows[j, pl.ds(0, 16)]
            for f in range(1, D // 16):
              acc = acc + srows[j, pl.ds(f * 16, 16)] * orows[j, pl.ds(f * 16, 16)]
            dot = jnp.sum(acc)
            return jnp.where(lid == jj, dot, out16)
          out16 = lax.fori_loop(0, 16, jb, jnp.zeros((16,), f32))
          lg_c[pl.ds(g * 16, 16)] = out16
          return c2
        lax.fori_loop(0, CH // 16, gb, 0)
        pltpu.sync_copy(lg_c, out_h.at[pl.ds(ebase, CH)])
      return c
    lax.fori_loop(0, ipt, chunk, 0)

  return pl.kernel(
      body,
      out_type=jax.ShapeDtypeStruct((ne,), f32),
      mesh=_mesh(),
      compiler_params=_SC_PARAMS,
      scratch_types=[
          pltpu.VMEM((CH,), i32),
          pltpu.VMEM((CH,), i32),
          pltpu.VMEM((CH, D), f32),
          pltpu.VMEM((CH, D), f32),
          pltpu.VMEM((CH,), f32),
          pltpu.SemaphoreType.DMA,
          pltpu.SemaphoreType.DMA,
      ],
  )(src, dst, s_tab, o_tab)



@functools.partial(jax.jit, static_argnames=("ne",))
def _k_delta(src, td_tab, eag_flat, ne):
  epc = ne // NC
  nch = epc // CH
  ipt = (nch + NSC - 1) // NSC

  def body(src_h, td_h, eag_h, out_h, src_c, rows, eagv, sem):
    cid = lax.axis_index("c")
    sid = lax.axis_index("s")
    def chunk(i, c):
      k = sid + i * NSC
      @pl.when(k < nch)
      def _():
        ebase = cid * epc + k * CH
        pltpu.sync_copy(src_h.at[pl.ds(ebase, CH)], src_c)
        cp = pltpu.async_copy(td_h.at[src_c], rows, sem)
        pltpu.sync_copy(eag_h.at[pl.ds(ebase * EAW, CH * EAW)], eagv)
        cp.wait()
        def jb(j, c2):
          eagv[pl.ds(j * EAW, 16)] = rows[j, pl.ds(0, 16)] + eagv[pl.ds(j * EAW, 16)]
          return c2
        lax.fori_loop(0, CH, jb, 0)
        pltpu.sync_copy(eagv, out_h.at[pl.ds(ebase * EAW, CH * EAW)])
      return c
    lax.fori_loop(0, ipt, chunk, 0)

  return pl.kernel(
      body,
      out_type=jax.ShapeDtypeStruct((ne * EAW,), f32),
      mesh=_mesh(),
      compiler_params=_SC_PARAMS,
      scratch_types=[
          pltpu.VMEM((CH,), i32),
          pltpu.VMEM((CH, D), f32),
          pltpu.VMEM((CH * EAW,), f32),
          pltpu.SemaphoreType.DMA,
      ],
  )(src, td_tab, eag_flat)



def _mm(x, w, bias=None, relu=False, x2=None):
  m, kk = x.shape
  n = w.shape[1]
  bm = 512
  grid = m // bm
  have_b = bias is not None
  have_x2 = x2 is not None

  def body(*refs):
    idx = 0
    x_ref = refs[idx]; idx += 1
    if have_x2:
      x2_ref = refs[idx]; idx += 1
    w_ref = refs[idx]; idx += 1
    if have_b:
      b_ref = refs[idx]; idx += 1
    o_ref = refs[idx]
    xv = x_ref[...]
    if have_x2:
      xv = xv + x2_ref[...]
    acc = jnp.dot(xv, w_ref[...], preferred_element_type=f32)
    if have_b:
      acc = acc + b_ref[...]
    if relu:
      acc = jnp.maximum(acc, 0.0)
    o_ref[...] = acc

  in_specs = [pl.BlockSpec((bm, kk), lambda i: (i, 0))]
  args = [x]
  if have_x2:
    in_specs.append(pl.BlockSpec((bm, kk), lambda i: (i, 0)))
    args.append(x2)
  in_specs.append(pl.BlockSpec((kk, n), lambda i: (0, 0)))
  args.append(w)
  if have_b:
    in_specs.append(pl.BlockSpec((1, n), lambda i: (0, 0)))
    args.append(bias.reshape(1, n))
  return pl.pallas_call(
      body, grid=(grid,), in_specs=in_specs,
      out_specs=pl.BlockSpec((bm, n), lambda i: (i, 0)),
      out_shape=jax.ShapeDtypeStruct((m, n), f32))(*args)


def _mv(x, w, c):
  m, kk = x.shape
  bm = 512
  grid = m // bm

  def body(x_ref, w_ref, c_ref, o_ref):
    o_ref[...] = jnp.sum(x_ref[...] * w_ref[...], axis=1) + c_ref[...]

  return pl.pallas_call(
      body, grid=(grid,),
      in_specs=[pl.BlockSpec((bm, kk), lambda i: (i, 0)),
                pl.BlockSpec((1, kk), lambda i: (0, 0)),
                pl.BlockSpec((1,), lambda i: (0,))],
      out_specs=pl.BlockSpec((bm,), lambda i: (i,)),
      out_shape=jax.ShapeDtypeStruct((m,), f32))(
          x, w.reshape(1, kk), jnp.asarray(c, f32).reshape(1))


def _combine_s(a0, a1, a2, a3, r_os, r_ss, b_os, b_ss, relu):
  bm = 512
  grid = NSP // bm

  def body(a0r, a1r, a2r, a3r, ror, rsr, bor, bsr, o_ref):
    satt_os = 1.0 - 1e-9 * ror[...]
    satt_ss = 1.0 - 1e-9 * rsr[...]
    acc = (a0r[...] + a1r[...] + a2r[...] + a3r[...]
           + satt_os[:, None] * bor[...] + satt_ss[:, None] * bsr[...])
    if relu:
      acc = jnp.maximum(acc, 0.0)
    o_ref[...] = acc

  bs2 = pl.BlockSpec((bm, D), lambda i: (i, 0))
  bs1 = pl.BlockSpec((bm,), lambda i: (i,))
  bsb = pl.BlockSpec((1, D), lambda i: (0, 0))
  return pl.pallas_call(
      body, grid=(grid,),
      in_specs=[bs2, bs2, bs2, bs2, bs1, bs1, bsb, bsb],
      out_specs=bs2,
      out_shape=jax.ShapeDtypeStruct((NSP, D), f32))(
          a0, a1, a2, a3, r_os, r_ss,
          b_os.reshape(1, D), b_ss.reshape(1, D))


def _combine_o(o_mm, msg_mm, deg, b_o, b_so, relu):
  bm = 512
  grid = NSP // bm

  def body(omr, mmr, dgr, bor, bsr, o_ref):
    dg = dgr[...]
    acc = omr[...] + bor[...] + (mmr[...] + dg[:, None] * bsr[...]) / (dg[:, None] + 1.0)
    if relu:
      acc = jnp.maximum(acc, 0.0)
    o_ref[...] = acc

  bs2 = pl.BlockSpec((bm, D), lambda i: (i, 0))
  bs1 = pl.BlockSpec((bm,), lambda i: (i,))
  bsb = pl.BlockSpec((1, D), lambda i: (0, 0))
  return pl.pallas_call(
      body, grid=(grid,),
      in_specs=[bs2, bs2, bs1, bsb, bsb],
      out_specs=bs2,
      out_shape=jax.ShapeDtypeStruct((NSP, D), f32))(
          o_mm, msg_mm, deg, b_o.reshape(1, D), b_so.reshape(1, D))



def kernel(s_feat, o_feat, os_edge_attr, ss_edge_attr, params,
           os_src, os_dst, ss_src, ss_dst):
  ns, _ = s_feat.shape
  no, _ = o_feat.shape
  ne = os_src.shape[0]
  n_layers = len(params)

  pad_n = lambda x: jnp.pad(x, ((0, NSP - x.shape[0]), (0, 0)))
  s_cur = pad_n(s_feat.astype(f32))
  o_cur = pad_n(o_feat.astype(f32))
  os_src = os_src.astype(i32)
  os_dst = os_dst.astype(i32)
  ss_src = ss_src.astype(i32)
  ss_dst = ss_dst.astype(i32)
  os_ea = os_edge_attr.astype(f32)
  ss_ea = ss_edge_attr.astype(f32)

  deg = _k_deg(os_src, ne=ne)

  s_hid = o_hid = delta16 = None
  for li, p in enumerate(params):
    od = p['W_o'].shape[0]
    sd = p['W_so'].shape[0]
    w_os_top, w_os_bot = p['W_os'][:od], p['W_os'][od:]
    w_ss_top, w_ss_bot = p['W_ss'][:sd], p['W_ss'][sd:]
    wq_os = w_os_bot @ p['a_os']
    wq_ss = w_ss_bot @ p['a_ss']
    c_os = jnp.dot(p['b_os'], p['a_os'])
    c_ss = jnp.dot(p['b_ss'], p['a_ss'])

    p_o = _mm(o_cur, w_os_top)
    p_s = _mm(s_cur, w_ss_top)
    po = _mv(p_o, p['a_os'], 0.0)
    ps = _mv(p_s, p['a_ss'], 0.0)
    q_os = _mv(os_ea, wq_os, c_os)
    q_ss = _mv(ss_ea, wq_ss, c_ss)

    m_os, r_os, att_os = _k_soft(po, q_os, os_src, os_dst, ne=ne)
    m_ss, r_ss, att_ss = _k_soft(ps, q_ss, ss_src, ss_dst, ne=ne)

    ea2_os = _mm(os_ea, w_os_bot)
    ea2_ss = _mm(ss_ea, w_ss_bot)
    aggp_os = _k_heavy(os_src, os_dst, att_os, p_o, ea2_os, ne=ne)
    aggp_ss = _k_heavy(ss_src, ss_dst, att_ss, p_s, ea2_ss, ne=ne)
    msgp = _k_msg(os_dst, os_src, s_cur, ne=ne)

    msg_mm = _mm(msgp[0], p['W_so'], x2=msgp[1])
    o_mm = _mm(o_cur, p['W_o'])

    last = li == n_layers - 1
    s_hid = _combine_s(aggp_os[0], aggp_os[1], aggp_ss[0], aggp_ss[1],
                       r_os, r_ss, p['b_os'], p['b_ss'],
                       relu=not last)
    o_hid = _combine_o(o_mm, msg_mm, deg, p['b_o'], p['b_so'], relu=not last)

    if last:
      wd128 = jnp.pad(p['W_delta'], ((0, 0), (0, D - p['W_delta'].shape[1])))
      td128 = _mm(p_s, wd128)
      g16 = w_ss_bot @ wd128[:, :EAW]
      cvec16 = p['b_ss'] @ wd128[:, :EAW] + jnp.pad(
          p['b_delta'], (0, EAW - p['b_delta'].shape[0]))
      eag = _mm(ss_ea, g16, bias=cvec16)
      delta16 = _k_delta(ss_src, td128, eag.reshape(-1), ne=ne).reshape(ne, EAW)

    s_cur, o_cur = s_hid, o_hid

  logits = _k_logits(os_src, os_dst, s_hid, o_hid, ne=ne)
  return (logits, delta16[:, :p['W_delta'].shape[1]])

# --- scband reference (transcript-rebuilt; emitter-appended) ---
"""Pipeline reference for scband-gnn-att-36223754175069 (READ-ONLY COPY).

The authoritative reference and input builder live on the scoring server;
editing this copy changes nothing except your own understanding.
"""

import jax, jax.numpy as jnp
import numpy as np

NS = 10000
NO = 10000
EOS = 320000
ESS = 320000
S_IN = 128
O_IN = 128
OS_E = 16
SS_E = 16
OUT = 128
N_LAYERS = 2
N_SERVICES = 8


def _layer_params(key, s_in, o_in):
    os_shape = o_in + OS_E
    ss_shape = s_in + SS_E
    ks = jax.random.split(key, 12)
    def g(k, shape, fan):
        return jax.random.normal(k, shape, dtype=jnp.float32) / np.sqrt(fan)
    return {
        'W_os': g(ks[0], (os_shape, OUT), os_shape),
        'b_os': jnp.zeros((OUT,), jnp.float32),
        'W_ss': g(ks[1], (ss_shape, OUT), ss_shape),
        'b_ss': jnp.zeros((OUT,), jnp.float32),
        'a_os': g(ks[2], (OUT,), OUT),
        'a_ss': g(ks[3], (OUT,), OUT),
        'W_o': g(ks[4], (o_in, OUT), o_in),
        'b_o': jnp.zeros((OUT,), jnp.float32),
        'W_so': g(ks[5], (s_in, OUT), s_in),
        'b_so': jnp.zeros((OUT,), jnp.float32),
        'W_delta': g(ks[6], (OUT, N_SERVICES), OUT),
        'b_delta': jnp.zeros((N_SERVICES,), jnp.float32),
    }


def setup_inputs(seed: int = 0):
    key = jax.random.key(seed)
    k = jax.random.split(key, 10)
    s_feat = jax.random.normal(k[0], (NS, S_IN), dtype=jnp.float32)
    o_feat = jax.random.normal(k[1], (NO, O_IN), dtype=jnp.float32)
    os_src = jax.random.randint(k[2], (EOS,), 0, NO)
    os_dst = jax.random.randint(k[3], (EOS,), 0, NS)
    os_edge_attr = jax.random.normal(k[4], (EOS, OS_E), dtype=jnp.float32)
    ss_src = jax.random.randint(k[5], (ESS,), 0, NS)
    ss_dst = jax.random.randint(k[6], (ESS,), 0, NS)
    ss_edge_attr = jax.random.normal(k[7], (ESS, SS_E), dtype=jnp.float32)
    params = [_layer_params(k[8], S_IN, O_IN)]
    pk = jax.random.split(k[9], max(N_LAYERS - 1, 1))
    for i in range(N_LAYERS - 1):
        params.append(_layer_params(pk[i], OUT, OUT))
    return {'s_feat': s_feat, 'o_feat': o_feat, 'os_edge_attr': os_edge_attr,
            'ss_edge_attr': ss_edge_attr, 'params': params,
            'os_src': os_src, 'os_dst': os_dst, 'ss_src': ss_src, 'ss_dst': ss_dst}


def _segment_softmax(e, seg, n):
    m = jax.ops.segment_max(e, seg, num_segments=n)
    m = jnp.where(jnp.isfinite(m), m, 0.0)
    ex = jnp.exp(e - m[seg])
    denom = jax.ops.segment_sum(ex, seg, num_segments=n)
    return ex / (denom[seg] + 1e-9)


def _attn_conv(p, s_feat, o_feat, os_src, os_dst, os_ea, ss_src, ss_dst, ss_ea):
    m_os = jnp.concatenate([o_feat[os_src], os_ea], axis=-1) @ p['W_os'] + p['b_os']
    e_os = jax.nn.leaky_relu(m_os @ p['a_os'], 0.2)
    a_os = _segment_softmax(e_os, os_dst, NS)
    agg_os = jax.ops.segment_sum(a_os[:, None] * m_os, os_dst, num_segments=NS)
    m_ss = jnp.concatenate([s_feat[ss_src], ss_ea], axis=-1) @ p['W_ss'] + p['b_ss']
    e_ss = jax.nn.leaky_relu(m_ss @ p['a_ss'], 0.2)
    a_ss = _segment_softmax(e_ss, ss_dst, NS)
    agg_ss = jax.ops.segment_sum(a_ss[:, None] * m_ss, ss_dst, num_segments=NS)
    s_hid = agg_os + agg_ss
    deg = jax.ops.segment_sum(jnp.ones((os_src.shape[0],), jnp.float32), os_src, num_segments=NO)
    msg_so = jax.ops.segment_sum(s_feat[os_dst] @ p['W_so'] + p['b_so'], os_src, num_segments=NO)
    o_hid = o_feat @ p['W_o'] + p['b_o'] + msg_so / (deg[:, None] + 1.0)
    delta_logits = m_ss @ p['W_delta'] + p['b_delta']
    return s_hid, o_hid, delta_logits


def reference(s_feat, o_feat, os_edge_attr, ss_edge_attr, params, os_src, os_dst, ss_src, ss_dst):
    s_hid, o_hid, delta_logits = _attn_conv(params[0], s_feat, o_feat, os_src, os_dst, os_edge_attr, ss_src, ss_dst, ss_edge_attr)
    for p in params[1:]:
        s_hid, o_hid, delta_logits = _attn_conv(p, jax.nn.relu(s_hid), jax.nn.relu(o_hid), os_src, os_dst, os_edge_attr, ss_src, ss_dst, ss_edge_attr)
    logits = jnp.sum(s_hid[os_dst] * o_hid[os_src], axis=-1)
    return (logits, delta_logits)

if __name__ == "__main__":
    import jax
    _d = setup_inputs()
    print(jax.jit(kernel)(*tuple(_d.values())))

</pallas_src>

<mosaic_0001>
#map = affine_map<(d0, d1) -> (0)>
module attributes {stable_mosaic.version = 14 : i64} {
  func.func @body(%arg0: i32, %arg1: i32, %arg2: memref<320000xi32, #tpu.memory_space<hbm>>, %arg3: memref<10240xf32, #tpu.memory_space<hbm>>, %arg4: memref<20000xi32, #tpu.memory_space<vmem>>, %arg5: memref<10240xf32, #tpu.memory_space<vmem>>, %arg6: memref<10240xi32, #tpu.memory_space<vmem>>, %arg7: memref<640xf32, #tpu.memory_space<vmem>>, %arg8: memref<640xf32, #tpu.memory_space<vmem>>, %arg9: memref<16x10240xf32, #tpu.memory_space<vmem_shared>>) attributes {dimension_semantics = [#tpu.dimension_semantics<core_parallel>, #tpu.dimension_semantics<subcore_parallel>], iteration_bounds = array<i64: 2, 16>, scalar_prefetch = 0 : i64, scratch_operands = 6 : i64, tpu.core_type = #tpu.core_type<sc_vector_subcore>, window_params = [{transform_indices = #map}, {transform_indices = #map}]} {
    %mul3A = arith.constant 640 : i32
    %mul3A_0 = arith.muli %arg1, %mul3A : i32
    %mul3A_1 = arith.constant 20000 : i32
    %mul3A_2 = arith.muli %arg1, %mul3A_1 : i32
    "tpu.region"() ({
      %run_scoped3A_23 = tpu.sem_alloc : memref<!tpu.dma_semaphore, #tpu.memory_space<semaphore_mem>>
      %dma_start3A = tpu.memref_slice %arg2[%mul3A_2] : memref<320000xi32, #tpu.memory_space<hbm>> -> memref<20000xi32, #tpu.memory_space<hbm>>
      %dma_start3A_24 = tpu.memref_slice %arg2[%mul3A_2] : memref<320000xi32, #tpu.memory_space<hbm>> -> memref<20000xi32, #tpu.memory_space<hbm>>
      tpu.enqueue_dma source(%dma_start3A_24 : memref<20000xi32, #tpu.memory_space<hbm>>) target(%arg4 : memref<20000xi32, #tpu.memory_space<vmem>>) target_semaphore(%run_scoped3A_23 : memref<!tpu.dma_semaphore, #tpu.memory_space<semaphore_mem>>)
      %dma_wait3A = tpu.memref_slice %arg2[%mul3A_2] : memref<320000xi32, #tpu.memory_space<hbm>> -> memref<20000xi32, #tpu.memory_space<hbm>>
      %dma_wait3A_25 = tpu.memref_slice %arg2[%mul3A_2] : memref<320000xi32, #tpu.memory_space<hbm>> -> memref<20000xi32, #tpu.memory_space<hbm>>
      tpu.wait_dma2 semaphore(%run_scoped3A_23 : memref<!tpu.dma_semaphore, #tpu.memory_space<semaphore_mem>>) src(%dma_wait3A_25 : memref<20000xi32, #tpu.memory_space<hbm>>) dst(%arg4 : memref<20000xi32, #tpu.memory_space<vmem>>)
      tpu.yield
    }) : () -> ()
    %scan3A = arith.constant 0 : i32
    %scan3A_3 = arith.constant 0 : i32
    %scan3A_4 = arith.constant 640 : i32
    %scan3A_5 = arith.addi %scan3A_3, %scan3A_4 : i32
    %scan3A_6 = arith.constant 1 : i32
    scf.for %scan3A_23 = %scan3A_3 to %scan3A_5 step %scan3A_6  : i32 {
      %broadcast_in_dim3A_24 = arith.constant 0.000000e+00 : f32
      %broadcast_in_dim3A_25 = vector.broadcast %broadcast_in_dim3A_24 : f32 to vector<16xf32>
      %mul3A_26 = arith.constant 16 : i32
      %mul3A_27 = arith.muli %scan3A_23, %mul3A_26 : i32
      %swap3A = arith.index_cast %mul3A_27 : i32 to index
      %swap3A_28 = tpu.vector_load %arg5[%swap3A] {strides = array<i32>} : memref<10240xf32, #tpu.memory_space<vmem>>, vector<16xf32>,
      tpu.vector_store %arg5[%swap3A], %broadcast_in_dim3A_25 {strides = array<i32>} : memref<10240xf32, #tpu.memory_space<vmem>>, vector<16xf32>,
    }
    %scan3A_7 = arith.constant 640 : i32
    %broadcast_in_dim3A = arith.constant 1.000000e+00 : f32
    %broadcast_in_dim3A_8 = vector.broadcast %broadcast_in_dim3A : f32 to vector<16xf32>
    %scan3A_9 = arith.constant 0 : i32
    %scan3A_10 = arith.constant 0 : i32
    %scan3A_11 = arith.constant 1250 : i32
    %scan3A_12 = arith.addi %scan3A_10, %scan3A_11 : i32
    %scan3A_13 = arith.constant 1 : i32
    scf.for %scan3A_23 = %scan3A_10 to %scan3A_12 step %scan3A_13  : i32 {
      %mul3A_24 = arith.constant 16 : i32
      %mul3A_25 = arith.muli %scan3A_23, %mul3A_24 : i32
      %get3A = arith.index_cast %mul3A_25 : i32 to index
      %get3A_26 = tpu.vector_load %arg4[%get3A] {strides = array<i32>} : memref<20000xi32, #tpu.memory_space<vmem>>, vector<16xi32>,
      tpu.vector_store_idx %arg5[%get3A_26], %broadcast_in_dim3A_8 {add = true} : memref<10240xf32, #tpu.memory_space<vmem>>[vector<16xi32>], vector<16xf32>,
    }
    %scan3A_14 = arith.constant 1250 : i32
    "tpu.region"() ({
      %run_scoped3A_23 = tpu.sem_alloc : memref<!tpu.dma_semaphore, #tpu.memory_space<semaphore_mem>>
      %dma_start3A = arith.constant 0 : i32
      %dma_start3A_24 = tpu.memref_slice %arg9[%arg1, %dma_start3A] : memref<16x10240xf32, #tpu.memory_space<vmem_shared>> -> memref<1x10240xf32, #tpu.memory_space<vmem_shared>>
      %dma_start3A_25 = tpu.memref_squeeze %dma_start3A_24 : memref<1x10240xf32, #tpu.memory_space<vmem_shared>> -> memref<10240xf32, #tpu.memory_space<vmem_shared>>
      %dma_start3A_26 = arith.constant 0 : i32
      %dma_start3A_27 = tpu.memref_slice %arg9[%arg1, %dma_start3A_26] : memref<16x10240xf32, #tpu.memory_space<vmem_shared>> -> memref<1x10240xf32, #tpu.memory_space<vmem_shared>>
      %dma_start3A_28 = tpu.memref_squeeze %dma_start3A_27 : memref<1x10240xf32, #tpu.memory_space<vmem_shared>> -> memref<10240xf32, #tpu.memory_space<vmem_shared>>
      tpu.enqueue_dma source(%arg5 : memref<10240xf32, #tpu.memory_space<vmem>>) target(%dma_start3A_28 : memref<10240xf32, #tpu.memory_space<vmem_shared>>) target_semaphore(%run_scoped3A_23 : memref<!tpu.dma_semaphore, #tpu.memory_space<semaphore_mem>>)
      %dma_wait3A = arith.constant 0 : i32
      %dma_wait3A_29 = tpu.memref_slice %arg9[%arg1, %dma_wait3A] : memref<16x10240xf32, #tpu.memory_space<vmem_shared>> -> memref<1x10240xf32, #tpu.memory_space<vmem_shared>>
      %dma_wait3A_30 = tpu.memref_squeeze %dma_wait3A_29 : memref<1x10240xf32, #tpu.memory_space<vmem_shared>> -> memref<10240xf32, #tpu.memory_space<vmem_shared>>
      %dma_wait3A_31 = arith.constant 0 : i32
      %dma_wait3A_32 = tpu.memref_slice %arg9[%arg1, %dma_wait3A_31] : memref<16x10240xf32, #tpu.memory_space<vmem_shared>> -> memref<1x10240xf32, #tpu.memory_space<vmem_shared>>
      %dma_wait3A_33 = tpu.memref_squeeze %dma_wait3A_32 : memref<1x10240xf32, #tpu.memory_space<vmem_shared>> -> memref<10240xf32, #tpu.memory_space<vmem_shared>>
      tpu.wait_dma2 semaphore(%run_scoped3A_23 : memref<!tpu.dma_semaphore, #tpu.memory_space<semaphore_mem>>) src(%arg5 : memref<10240xf32, #tpu.memory_space<vmem>>) dst(%dma_wait3A_33 : memref<10240xf32, #tpu.memory_space<vmem_shared>>)
      tpu.yield
    }) : () -> ()
    %barrier3A = arith.constant 0 : index
    tpu.barrier barrier_id(%barrier3A)
    %run_scoped3A = arith.constant 0 : i32
    "tpu.region"() ({
      %run_scoped3A_23 = tpu.sem_alloc : memref<!tpu.dma_semaphore, #tpu.memory_space<semaphore_mem>>
      %dma_start3A = tpu.memref_slice %arg9[%run_scoped3A, %mul3A_0] : memref<16x10240xf32, #tpu.memory_space<vmem_shared>> -> memref<1x640xf32, #tpu.memory_space<vmem_shared>>
      %dma_start3A_24 = tpu.memref_squeeze %dma_start3A : memref<1x640xf32, #tpu.memory_space<vmem_shared>> -> memref<640xf32, #tpu.memory_space<vmem_shared>>
      %dma_start3A_25 = tpu.memref_slice %arg9[%run_scoped3A, %mul3A_0] : memref<16x10240xf32, #tpu.memory_space<vmem_shared>> -> memref<1x640xf32, #tpu.memory_space<vmem_shared>>
      %dma_start3A_26 = tpu.memref_squeeze %dma_start3A_25 : memref<1x640xf32, #tpu.memory_space<vmem_shared>> -> memref<640xf32, #tpu.memory_space<vmem_shared>>
      tpu.enqueue_dma source(%dma_start3A_26 : memref<640xf32, #tpu.memory_space<vmem_shared>>) target(%arg7 : memref<640xf32, #tpu.memory_space<vmem>>) target_semaphore(%run_scoped3A_23 : memref<!tpu.dma_semaphore, #tpu.memory_space<semaphore_mem>>)
      %dma_wait3A = tpu.memref_slice %arg9[%run_scoped3A, %mul3A_0] : memref<16x10240xf32, #tpu.memory_space<vmem_shared>> -> memref<1x640xf32, #tpu.memory_space<vmem_shared>>
      %dma_wait3A_27 = tpu.memref_squeeze %dma_wait3A : memref<1x640xf32, #tpu.memory_space<vmem_shared>> -> memref<640xf32, #tpu.memory_space<vmem_shared>>
      %dma_wait3A_28 = tpu.memref_slice %arg9[%run_scoped3A, %mul3A_0] : memref<16x10240xf32, #tpu.memory_space<vmem_shared>> -> memref<1x640xf32, #tpu.memory_space<vmem_shared>>
      %dma_wait3A_29 = tpu.memref_squeeze %dma_wait3A_28 : memref<1x640xf32, #tpu.memory_space<vmem_shared>> -> memref<640xf32, #tpu.memory_space<vmem_shared>>
      tpu.wait_dma2 semaphore(%run_scoped3A_23 : memref<!tpu.dma_semaphore, #tpu.memory_space<semaphore_mem>>) src(%dma_wait3A_29 : memref<640xf32, #tpu.memory_space<vmem_shared>>) dst(%arg7 : memref<640xf32, #tpu.memory_space<vmem>>)
      tpu.yield
    }) : () -> ()
    %scan3A_15 = arith.constant 0 : i32
    %scan3A_16 = arith.constant 1 : i32
    %scan3A_17 = arith.constant 15 : i32
    %scan3A_18 = arith.addi %scan3A_16, %scan3A_17 : i32
    %scan3A_19 = arith.constant 1 : i32
    scf.for %scan3A_23 = %scan3A_16 to %scan3A_18 step %scan3A_19  : i32 {
      "tpu.region"() ({
        %run_scoped3A_30 = tpu.sem_alloc : memref<!tpu.dma_semaphore, #tpu.memory_space<semaphore_mem>>
        %dma_start3A = tpu.memref_slice %arg9[%scan3A_23, %mul3A_0] : memref<16x10240xf32, #tpu.memory_space<vmem_shared>> -> memref<1x640xf32, #tpu.memory_space<vmem_shared>>
        %dma_start3A_31 = tpu.memref_squeeze %dma_start3A : memref<1x640xf32, #tpu.memory_space<vmem_shared>> -> memref<640xf32, #tpu.memory_space<vmem_shared>>
        %dma_start3A_32 = tpu.memref_slice %arg9[%scan3A_23, %mul3A_0] : memref<16x10240xf32, #tpu.memory_space<vmem_shared>> -> memref<1x640xf32, #tpu.memory_space<vmem_shared>>
        %dma_start3A_33 = tpu.memref_squeeze %dma_start3A_32 : memref<1x640xf32, #tpu.memory_space<vmem_shared>> -> memref<640xf32, #tpu.memory_space<vmem_shared>>
        tpu.enqueue_dma source(%dma_start3A_33 : memref<640xf32, #tpu.memory_space<vmem_shared>>) target(%arg8 : memref<640xf32, #tpu.memory_space<vmem>>) target_semaphore(%run_scoped3A_30 : memref<!tpu.dma_semaphore, #tpu.memory_space<semaphore_mem>>)
        %dma_wait3A = tpu.memref_slice %arg9[%scan3A_23, %mul3A_0] : memref<16x10240xf32, #tpu.memory_space<vmem_shared>> -> memref<1x640xf32, #tpu.memory_space<vmem_shared>>
        %dma_wait3A_34 = tpu.memref_squeeze %dma_wait3A : memref<1x640xf32, #tpu.memory_space<vmem_shared>> -> memref<640xf32, #tpu.memory_space<vmem_shared>>
        %dma_wait3A_35 = tpu.memref_slice %arg9[%scan3A_23, %mul3A_0] : memref<16x10240xf32, #tpu.memory_space<vmem_shared>> -> memref<1x640xf32, #tpu.memory_space<vmem_shared>>
        %dma_wait3A_36 = tpu.memref_squeeze %dma_wait3A_35 : memref<1x640xf32, #tpu.memory_space<vmem_shared>> -> memref<640xf32, #tpu.memory_space<vmem_shared>>
        tpu.wait_dma2 semaphore(%run_scoped3A_30 : memref<!tpu.dma_semaphore, #tpu.memory_space<semaphore_mem>>) src(%dma_wait3A_36 : memref<640xf32, #tpu.memory_space<vmem_shared>>) dst(%arg8 : memref<640xf32, #tpu.memory_space<vmem>>)
        tpu.yield
      }) : () -> ()
      %scan3A_24 = arith.constant 0 : i32
      %scan3A_25 = arith.constant 0 : i32
      %scan3A_26 = arith.constant 40 : i32
      %scan3A_27 = arith.addi %scan3A_25, %scan3A_26 : i32
      %scan3A_28 = arith.constant 1 : i32
      scf.for %scan3A_30 = %scan3A_25 to %scan3A_27 step %scan3A_28  : i32 {
        %mul3A_31 = arith.constant 16 : i32
        %mul3A_32 = arith.muli %scan3A_30, %mul3A_31 : i32
        %get3A = arith.index_cast %mul3A_32 : i32 to index
        %get3A_33 = tpu.vector_load %arg7[%get3A] {strides = array<i32>} : memref<640xf32, #tpu.memory_space<vmem>>, vector<16xf32>,
        %mul3A_34 = arith.constant 16 : i32
        %mul3A_35 = arith.muli %scan3A_30, %mul3A_34 : i32
        %get3A_36 = arith.index_cast %mul3A_35 : i32 to index
        %get3A_37 = tpu.vector_load %arg8[%get3A_36] {strides = array<i32>} : memref<640xf32, #tpu.memory_space<vmem>>, vector<16xf32>,
        %add3A = arith.addf %get3A_33, %get3A_37 : vector<16xf32>
        %mul3A_38 = arith.constant 16 : i32
        %mul3A_39 = arith.muli %scan3A_30, %mul3A_38 : i32
        %swap3A = arith.index_cast %mul3A_39 : i32 to index
        %swap3A_40 = tpu.vector_load %arg7[%swap3A] {strides = array<i32>} : memref<640xf32, #tpu.memory_space<vmem>>, vector<16xf32>,
        tpu.vector_store %arg7[%swap3A], %add3A {strides = array<i32>} : memref<640xf32, #tpu.memory_space<vmem>>, vector<16xf32>,
      }
      %scan3A_29 = arith.constant 40 : i32
    }
    %scan3A_20 = arith.constant 15 : i32
    %eq3A = arith.constant 0 : i32
    %eq3A_21 = arith.cmpi eq, %arg0, %eq3A : i32
    %convert_element_type3A = arith.extui %eq3A_21 : i1 to i32
    %cond3A = arith.constant 0 : i32
    %cond3A_22 = arith.cmpi ne, %convert_element_type3A, %cond3A : i32
    scf.if %cond3A_22 {
      "tpu.region"() ({
        %run_scoped3A_23 = tpu.sem_alloc : memref<!tpu.dma_semaphore, #tpu.memory_space<semaphore_mem>>
        %dma_start3A = tpu.memref_slice %arg3[%mul3A_0] : memref<10240xf32, #tpu.memory_space<hbm>> -> memref<640xf32, #tpu.memory_space<hbm>>
        %dma_start3A_24 = tpu.memref_slice %arg3[%mul3A_0] : memref<10240xf32, #tpu.memory_space<hbm>> -> memref<640xf32, #tpu.memory_space<hbm>>
        tpu.enqueue_dma source(%arg7 : memref<640xf32, #tpu.memory_space<vmem>>) target(%dma_start3A_24 : memref<640xf32, #tpu.memory_space<hbm>>) target_semaphore(%run_scoped3A_23 : memref<!tpu.dma_semaphore, #tpu.memory_space<semaphore_mem>>)
        %dma_wait3A = tpu.memref_slice %arg3[%mul3A_0] : memref<10240xf32, #tpu.memory_space<hbm>> -> memref<640xf32, #tpu.memory_space<hbm>>
        %dma_wait3A_25 = tpu.memref_slice %arg3[%mul3A_0] : memref<10240xf32, #tpu.memory_space<hbm>> -> memref<640xf32, #tpu.memory_space<hbm>>
        tpu.wait_dma2 semaphore(%run_scoped3A_23 : memref<!tpu.dma_semaphore, #tpu.memory_space<semaphore_mem>>) src(%arg7 : memref<640xf32, #tpu.memory_space<vmem>>) dst(%dma_wait3A_25 : memref<640xf32, #tpu.memory_space<hbm>>)
        tpu.yield
      }) : () -> ()
    } else {
    }
    return
  }
}

</mosaic_0001>

<sc_bundles>
// kernel: _k_deg.3.cloned.1.call-start
scs
__scs_entry_jumppad:
0x0: {  	(pc) =	sbr.rel $0x88, $3  }
0x1: {  	(tag) =	ssettag $0x0;
	lr =	simm.s32 $0x1  }
0x2: {  	[smem:$0x3FA0] =	sst lr;
	_ =	strace $0xD0000000  }
0x3: {  	_ = 	snop  }
0x4: {  	_ = 	snop  }
0x5: {  	_ = 	snop  }
0x6: {  	_ = 	snop  }
0x7: {  	_ = 	snop  }
__scs_overlays_trampoline_lowered:
0x8: {  	[smem:$0x3FAF] =	sst s0  }
0x9: {  	[smem:$0x3FB0] =	sst s1  }
0xa: {  	[smem:$0x3FB1] =	sst s2  }
0xb: {  	[smem:$0x3FB2] =	sst s3  }
0xc: {  	[smem:$0x3FB3] =	sst s4  }
0xd: {  	[smem:$0x3FB4] =	sst s5  }
0xe: {  	[smem:$0x3FB5] =	sst s6  }
0xf: {  	[smem:$0x3FB6] =	sst s7  }
0x10: {  	[smem:$0x3FB7] =	sst s8  }
0x11: {  	[smem:$0x3FB8] =	sst s9;
	s0 =	simm.s32 @!p0 $0x0  }
0x12: {  	s1 =	sld [smem:$0x3F9E];
	s0 =	simm.s32 @p0 $0x1  }
0x13: {  	[smem:$0x3FB9] =	sst s0;
	s0 =	simm.s32 @!p1 $0x0  }
0x14: {  	s2 =	sld [smem:$0x3F9D];
	s0 =	simm.s32 @p1 $0x1  }
0x15: {  	[smem:$0x3FBA] =	sst s0;
	s0 =	simm.s32 @!p2 $0x0  }
0x16: {  	s3 =	sld [smem:$0x3FDB];
	s0 =	simm.s32 @p2 $0x1  }
0x17: {  	s4 =	simm.s32 $0x1BF5;
	[smem:$0x3FBC] =	sst s0  }
0x18: {  	s0 =	sld [smem:$0x3F9F];
	_ =	swait.ge [sflag:s4], $0x0  }
0x19: {  	s7 =	sld [smem:$0x3FA0]  }
0x1a: {  	s8 =	sadd.s32 $0xFFFFE003, lr  }
0x1b: {  	s9 =	sadd.s32 $0xFFFFFEF7, lr;
	s5 =	simm.s32 $0xFFFFFFFF;
	p2 =	slt.u32 s8, $0xFFFFF086  }
0x1c: {  	p1 =	slt.u32 s9, $0xF7A;
	s5 =	simm.s32 @!p2 $0x0  }
0x1d: {  	s5 =	simm.s32 @p1 $0x1;
	p0 =	seq.s32 s7, s2  }
0x1e: {  	s7 =	smul.u32 @!p0 $0xF7A, s2;
	p2 =	seq.s32 @!p0 s5, $0x0  }
0x1f: {  	s9 =	smul.u32 $0xF7A, s1;
	s8 =	simm.s32 @!p0 $0x1BF5;
	p2 =	por !p2, p0  }
0x20: {  	[sflag:s8] =	ssyncset.s32 @!p0 $0xFFFFF086;
	s6 =	sadd.s32 @!p0 s3, s7;
	s7 =	simm.s32 @!p0 $0x108  }
0x21: {  	s3 =	sadd.s32 s3, s9;
	s6 =	sadd.s32 @!p0 $0x88, s6;
	s7 =	simm.s32 @p2 $0x1082  }
0x22: {  	[simem:s7], [sflag:s8] =	dma.local @!p0 [hbm:s6], $0xF7A  }
0x23: {  	s9 =	sor.u32 $0xD0000000, s2;
	s6 =	simm.s32 $0x108;
	_ =	swait.ge @!p0 [sflag:s8], $0x0  }
0x24: {  	s3 =	sadd.s32 $0x88, s3;
	s6 =	simm.s32 @!p1 $0x1082;
	[sflag:s4] =	ssyncset.s32 $0xFFFFF086  }
0x25: {  	[simem:s6], [sflag:s4] =	dma.local [hbm:s3], $0xF7A  }
0x26: {  	[smem:$0x3FA0] =	sst s1;
	(tag) =	ssettag s2;
	_ =	strace s9  }
0x27: {  	s1 =	sld [smem:$0x3FB0]  }
0x28: {  	s2 =	sld [smem:$0x3FB1]  }
0x29: {  	s4 =	sld [smem:$0x3FB3]  }
0x2a: {  	p0 =	seq.s32 s5, $0x0;
	s5 =	sld [smem:$0x3FB4]  }
0x2b: {  	s6 =	sld [smem:$0x3FB5]  }
0x2c: {  	s7 =	sld [smem:$0x3FB6]  }
0x2d: {  	s3 =	simm.s32 $0x108;
	s8 =	sld [smem:$0x3FB7]  }
0x2e: {  	s3 =	simm.s32 @!p0 $0x1082;
	s9 =	sld [smem:$0x3FB8]  }
0x2f: {  	lr =	sadd.s32 s0, s3;
	s0 =	sld [smem:$0x3FAF]  }
0x30: {  	s3 =	sld [smem:$0x3FB2]  }
0x31: {  	[smem:$0x3FBB] =	sst s10  }
0x32: {  	s10 =	sld [smem:$0x3FB9];
	_ =	sdelay $0x3  }
0x33: {  	p0 =	seq.s32 s10, $0x1;
	s10 =	sld [smem:$0x3FBB];
	_ =	sdelay $0x3  }
0x34: {  	[smem:$0x3FBB] =	sst s10  }
0x35: {  	s10 =	sld [smem:$0x3FBA];
	_ =	sdelay $0x3  }
0x36: {  	p1 =	seq.s32 s10, $0x1;
	s10 =	sld [smem:$0x3FBB];
	_ =	sdelay $0x3  }
0x37: {  	[smem:$0x3FBB] =	sst s10  }
0x38: {  	s10 =	sld [smem:$0x3FBC]  }
0x39: {  	_ = 	snop;
	(pc) =	sbr.ind lr, $3  }
0x3a: {  	_ = 	snop  }
0x3b: {  	_ = 	snop  }
0x3c: {  	p2 =	seq.s32 s10, $0x1;
	s10 =	sld [smem:$0x3FBB]  }
0x3d: {  	_ =	shalt  }
0x3e: {  	_ =	shalt  }
0x3f: {  	_ =	shalt  }
0x40: {  	_ =	shalt  }
0x41: {  	_ =	shalt  }
0x42: {  	_ =	shalt  }
0x43: {  	_ =	shalt  }
0x44: {  	_ =	shalt  }
0x45: {  	_ =	shalt  }
0x46: {  	_ =	shalt  }
0x47: {  	_ =	shalt  }
0x48: {  	_ =	shalt  }
0x49: {  	_ =	shalt  }
0x4a: {  	_ =	shalt  }
0x4b: {  	_ =	shalt  }
0x4c: {  	_ =	shalt  }
0x4d: {  	_ =	shalt  }
0x4e: {  	_ =	shalt  }
0x4f: {  	_ =	shalt  }
0x50: {  	_ =	shalt  }
0x51: {  	_ =	shalt  }
0x52: {  	_ =	shalt  }
0x53: {  	_ =	shalt  }
0x54: {  	_ =	shalt  }
0x55: {  	_ =	shalt  }
0x56: {  	_ =	shalt  }
0x57: {  	_ =	shalt  }
0x58: {  	_ =	shalt  }
0x59: {  	_ =	shalt  }
0x5a: {  	_ =	shalt  }
0x5b: {  	_ =	shalt  }
0x5c: {  	_ =	shalt  }
0x5d: {  	_ =	shalt  }
0x5e: {  	_ =	shalt  }
0x5f: {  	_ =	shalt  }
0x60: {  	_ =	shalt  }
0x61: {  	_ =	shalt  }
0x62: {  	_ =	shalt  }
0x63: {  	_ =	shalt  }
0x64: {  	_ =	shalt  }
0x65: {  	_ =	shalt  }
0x66: {  	_ =	shalt  }
0x67: {  	_ =	shalt  }
0x68: {  	_ =	shalt  }
0x69: {  	_ =	shalt  }
0x6a: {  	_ =	shalt  }
0x6b: {  	_ =	shalt  }
0x6c: {  	_ =	shalt  }
0x6d: {  	_ =	shalt  }
0x6e: {  	_ =	shalt  }
0x6f: {  	_ =	shalt  }
0x70: {  	_ =	shalt  }
0x71: {  	_ =	shalt  }
0x72: {  	_ =	shalt  }
0x73: {  	_ =	shalt  }
0x74: {  	_ =	shalt  }
0x75: {  	_ =	shalt  }
0x76: {  	_ =	shalt  }
0x77: {  	_ =	shalt  }
0x78: {  	_ =	shalt  }
0x79: {  	_ =	shalt  }
0x7a: {  	_ =	shalt  }
0x7b: {  	_ =	shalt  }
0x7c: {  	_ =	shalt  }
0x7d: {  	_ =	shalt  }
0x7e: {  	_ =	shalt  }
0x7f: {  	_ =	shalt  }
0x80: {  	_ =	shalt  }
0x81: {  	_ =	shalt  }
0x82: {  	_ =	shalt  }
0x83: {  	_ =	shalt  }
0x84: {  	_ =	shalt  }
0x85: {  	_ =	shalt  }
0x86: {  	_ =	shalt  }
0x87: {  	_ =	shalt  }
.Lfunc_end0:
.L_simem_size_0:
called_computation_lowered:
.L_overlay_start_0:
0x88: {  	s2 =	sld [smem:$0x3FD9]  }
0x89: {  	s3 =	sld [smem:$0x3FFE];
	_ =	sdelay $0x1  }
0x8a: {  	s1 =	srdreg.scid  }
0x8b: {  	s0 =	sand.u32 $0x1, s1  }
0x8c: {  	s18 =	sshll.u32 s0, $0xA;
	s2 =	sadd.s32 s3, s2  }
0x8d: {  	s2 =	sadd.s32 s2, s18  }
0x8e: {  	[smem:$0x3FC7] =	sst s2  }
0x8f: {  	_ = 	snop  }
0x90: {  	s2 =	sld [smem:$0x3FC9]  }
0x91: {  	s19 =	sld [smem:$0x3FD0];
	(tm) =	ssettm $0x1  }
0x92: {  	s4 =	sld [smem:$0x3FFB];
	_ =	sdelay $0x3  }
0x93: {  	_ =	strace s4  }
0x94: {  	s4 =	sld [smem:$0x3FFC];
	_ =	sdelay $0x3  }
0x95: {  	_ =	strace s4  }
0x96: {  	s4 =	sld [smem:$0x3FFD];
	_ =	sdelay $0x3  }
0x97: {  	_ =	strace s4  }
0x98: {  	_ =	strace $0x8FFFFFFF  }
0x99: {  	s20 =	sld [smem:$0x3FDB];
	_ =	sdelay $0x1  }
0x9a: {  	s5 =	simm.s32 $_scs_section_size  }
0x9b: {  	s6 =	simm.s32 $_size__tile_overlayer_lowered;
	s7 =	simm.s32 $_tile_overlayer_lowered  }
0x9c: {  	s23 =	simm.s32 $0x1BFF;
	s22 =	sshll.u32 s7, $0x1;
	s4 =	sadd.s32 s5, s20  }
0x9d: {  	s8 =	simm.s32 $0x0;
	s21 =	sshll.u32 s6, $0x1;
	s6 =	sadd.s32 s22, s4  }
0x9e: {  	[timem:s8], [sflag:s23] =	dma.local [hbm:s6], s21  }
0x9f: {  	_ =	swait.ge [sflag:s23], s21  }
0xa0: {  	s5 =	ssub.s32 $0x0, s21;
	[sflag:s23] =	ssyncset.done $0x0  }
0xa1: {  	[sflag:s23] =	ssyncadd.s32 s5;
	_ =	sdelay $0x1  }
0xa2: {  	s24 =	simm.s32 $0x1B8B  }
0xa3: {  	_ =	swait.ge [sflag:s24], $0x1  }
0xa4: {  	[sflag:s24] =	ssyncset.done $0x0  }
0xa5: {  	s25 =	simm.s32 $0x1B8E;
	[sflag:s24] =	ssyncadd.s32 $0xFFFFFFFF  }
0xa6: {  	s26 =	simm.s32 $execute0_lowered;
	[smem:$0x3FD2] =	sst s25  }
0xa7: {  	s5 =	sshll.u32 s26, $0x1;
	_ =	strace $0x80000046;
	[dreg:$0x1] =	wrdreg $0xFFFFFFFF  }
0xa8: {  	s28 =	simm.s32 $_size_execute0_lowered;
	s4 =	sadd.s32 s4, s5;
	[dreg:$0x0] =	wrdreg $0x0  }
0xa9: {  	s5 =	sshll.u32 s28, $0x1;
	[dreg:$0x2] =	wrdreg s4  }
0xaa: {  	[dreg:$0x3] =	wrdreg s5  }
0xab: {  	[dreg:$0x4] =	wrdreg $0xC0  }
0xac: {  	_ =	task [dreg:s8], $0x5FFFF  }
0xad: {  	[dreg:$0x1] =	wrdreg $0xFFFFFFFF  }
0xae: {  	[dreg:$0x0] =	wrdreg $0x60  }
0xaf: {  	[dreg:$0x2] =	wrdreg s2  }
0xb0: {  	[dreg:$0x3] =	wrdreg s19  }
0xb1: {  	[dreg:$0x4] =	wrdreg $0x7B800  }
0xb2: {  	[dreg:$0x5] =	wrdreg $0x9  }
0xb3: {  	_ =	task.clear_ibuf [dreg:s8], $0x6FFFF;
	_ =	strace $0x90000046  }
0xb4: {  	s29 =	simm.s32 $0x9;
	_ =	strace $0x80000048  }
0xb5: {  	_ =	swait.ge [sflag:s29], $0x1  }
0xb6: {  	[sflag:s29] =	ssyncadd.s32 $0xFFFFFFFF  }
0xb7: {  	_ =	strace $0x90000048  }
0xb8: {  	_ =	sfence  }
0xb9: {  	s30 =	sld [smem:$0x0];
	_ =	sdelay $0x2  }
0xba: {  	s31 =	sshll.u32 s1, $0xD;
	s1 =	sshrl.u32 s1, $0x2  }
0xbb: {  	s3 =	sand.u32 $0x4000, s31;
	s1 =	sadd.s32 s1, s30  }
0xbc: {  	s0 =	sor.u32 s3, s0;
	s1 =	sshll.u32 s1, $0x11  }
0xbd: {  	s0 =	sor.u32 s1, s0  }
0xbe: {  	s0 =	sadd.s32 $0x8F2B, s0  }
0xbf: {  	[sflag:s0] =	ssyncadd.remote.s32 $0x1  }
0xc0: {  	_ =	sfence.sel $0xFFFF  }
0xc1: {  	[dreg:$0x0] =	wrdreg $0xFFFFFFFF;
	(pc) =	sbr.abs _section_cstart, $3  }
0xc2: {  	[dreg:$0x1] =	wrdreg $0xFFFFFFFF  }
0xc3: {  	_ =	task.clear_ibuf [dreg:s8], $0x2FFFF;
	_ =	strace $0x9FFFFFFF  }
0xc4: {  	(tm) =	ssettm $0x7FFFFFFF  }
0xc5: {  	_ =	shalt  }
tec
execute0_lowered:
.L_overlay_start_1:
0x0: {  	(tag) =	ssettag $0x1  }
0x1: {  	s3 =	rddreg [dreg:$0x0]  }
0x2: {  	s6 =	rddreg [dreg:$0x1]  }
0x3: {  	s5 =	rddreg [dreg:$0x2]  }
0x4: {  	s0 =	rddreg [dreg:$0x3];
	s2 =	simm.s32 $0x0;
	s4 =	srdreg.scid  }
0x5: {  	s1 =	stileid.u32;
	s12 =	simm.s32 $0x7680;
	s13 =	simm.s32 $0x7900  }
0x6: {  	[smem:$0x7FF] =	sst s2;
	s14 =	sand.u32 $0x1, s4;
	s7 =	smul.u32 $0x9C4, s1  }
0x7: {  	s8 =	sshrl.u32 s1, $0x3;
	s30 =	smul.u32 $0x5000, s1;
	s31 =	sshll.u32 s1, $0x7  }
0x8: {  	s10 =	smul.u32 $0x50, s1;
	s4 =	ssub.s32 $0x2, s14;
	_ =	strace $0x80000047  }
0x9: {  	s8 =	smul.u32 $0x50000, s8;
	p0 =	sne.s32 s14, $0x0;
	s14 =	simm.s32 $0x0  }
0xa: {  	s9 =	sshrl.u32 s4, $0x1;
	s3 =	sadd.s32 s3, s7;
	s7 =	sand.u32 $0x380, s31  }
0xb: {  	s11 =	sshrl.u32 s30, $0x2;
	s6 =	sadd.s32 s6, s10;
	s8 =	sshrl.u32 s8, $0x2  }
0xc: {  	s10 =	simm.s32 $0x80;
	s9 =	ssub.s32 s4, s9;
	s8 =	sadd.s32 s8, s5  }
0xd: {  	s5 =	sadd.s32 s11, s5;
	s11 =	simm.s32 $0x400;
	s4 =	sadd.s32 s7, s8  }
0xe: {  	v0 =	vimm.f32 $0.0e+00;
	v1 =	vimm.f32 $1.000000000e+00;
	s7 =	smax.u32 s9, $0x1;
	s8 =	simm.s32 $0x1;
	s9 =	simm.s32 $0x4E80  }
.LBB2_1:
0xf: {  	[tilespmem:s2], [sflag:$0x1] =	stream.linear.gather [hbm4b:s3+s2], $0x4E20, $0x38;
	[tilespmem:$0xA380] =	vst v63  }
0x10: {  	_ =	swait.ge [sflag:s8], $0x4E20  }
0x11: {  	[sflag:s8] =	ssyncset.done $0x0  }
0x12: {  	s15 =	simm.s32 $0x0;
	[sflag:s8] =	ssyncadd.s32 $0xFFFFB1E0  }
.LBB2_2:
0x13: {  	p1 =	sne.s32 s15, $0x9FC0  }
.Ltmp0:
0x14: {  	_ = 	snop;
	(pc) =	sbr.rel @p1 .LBB2_2-.Ltmp0, $3  }
0x15: {  	_ =	sdelay $0x1  }
0x16: {  	s16 =	sshra.s32 s15, $0x2  }
0x17: {  	s15 =	sadd.s32 $0x40, s15;
	[tilespmem:s16+$0x4E80] =	vst v0  }
0x18: {  	s16 =	simm.s32 $0x0;
	s15 =	simm.s32 $0x40  }
.LBB2_4:
0x19: {  	p1 =	sne.s32 s15, $0x13840;
	v2 =	vld [tilespmem:s16+$0x0];
	_ =	sdelay $0x3  }
.Ltmp1:
0x1a: {  	(pc) =	sbr.rel @p1 .LBB2_4-.Ltmp1, $2  }
0x1b: {  	_ =	sdelay $0x2  }
0x1c: {  	s16 =	sshra.s32 s15, $0x2;
	s15 =	sadd.s32 $0x40, s15;
	[tilespmem:v2+s9+$0x0] =	vst.idx.add.f32.msk $0xffff, v1  }
0x1d: {  	v2 =	vld [tilespmem:s16+$0x0];
	_ =	sdelay $0x7  }
0x1e: {  	s15 =	simm.s32 $0x1;
	[tilespmem:v2+s9+$0x0] =	vst.idx.add.f32.msk $0xffff, v1  }
0x1f: {  	[spmem:s4] =	stream.strided.scatter [tilespmem:s9], [sflag:$0x1], $0x2800, s11, s10, $0x38;
	[tilespmem:$0xA380] =	vst v63  }
0x20: {  	_ =	swait.ge [sflag:s15], $0x2800  }
0x21: {  	[sflag:s15] =	ssyncset.done $0x0  }
0x22: {  	[sflag:s15] =	ssyncadd.s32 $0xFFFFD800  }
0x23: {  	[bflag:$0x0] =	sbarrier.arrive $0xFFFF  }
0x24: {  	[tilespmem:s12], [sflag:$0x1] =	stream.strided.gather [spmem:s5], $0x280, s11, s10, $0x38;
	[tilespmem:$0xA380] =	vst v63  }
0x25: {  	_ =	swait.ge [sflag:s15], $0x280  }
0x26: {  	[sflag:s15] =	ssyncset.done $0x0  }
0x27: {  	[sflag:s15] =	ssyncadd.s32 $0xFFFFFD80  }
.LBB2_6:
0x28: {  	s16 =	sshrl.u32 s15, $0x3  }
0x29: {  	s16 =	smul.u32 $0x50000, s16;
	_ =	sdelay $0x1  }
0x2a: {  	s17 =	sshll.u32 s15, $0x7;
	s16 =	sshra.s32 s16, $0x2  }
0x2b: {  	s17 =	sand.u32 $0x380, s17;
	s16 =	sadd.s32 s16, s5  }
0x2c: {  	s16 =	sadd.s32 s17, s16  }
0x2d: {  	[tilespmem:s13], [sflag:$0x1] =	stream.strided.gather [spmem:s16], $0x280, s11, s10, $0x38;
	[tilespmem:$0xA380] =	vst v63  }
0x2e: {  	_ =	swait.ge [sflag:s8], $0x280  }
0x2f: {  	[sflag:s8] =	ssyncset.done $0x0  }
0x30: {  	s16 =	simm.s32 $0x0;
	[sflag:s8] =	ssyncadd.s32 $0xFFFFFD80  }
0x31: {  	s17 =	simm.s32 $0x40;
	v2 =	vld [tilespmem:s16+$0x7900]  }
.LBB2_7:
0x32: {  	p1 =	sne.s32 s17, $0x9C0;
	v3 =	vld [tilespmem:s16+$0x7680];
	_ =	sdelay $0x2  }
.Ltmp2:
0x33: {  	(pc) =	sbr.rel @p1 .LBB2_7-.Ltmp2, $4  }
0x34: {  	_ = 	snop  }
0x35: {  	v3 =	vadd.f32 v2, v3  }
0x36: {  	s18 =	sshra.s32 s17, $0x2  }
0x37: {  	s17 =	sadd.s32 $0x40, s17;
	v2 =	vld [tilespmem:s18+$0x7900];
	[tilespmem:s16+$0x7680] =	vst v3;
	s16 =	smov.u32 s18  }
0x38: {  	v3 =	vld [tilespmem:s16+$0x7680]  }
0x39: {  	s15 =	sadd.s32 $0x1, s15  }
0x3a: {  	p1 =	sne.s32 s15, $0x10  }
.Ltmp3:
0x3b: {  	_ = 	snop;
	(pc) =	sbr.rel @p1 .LBB2_6-.Ltmp3, $3  }
0x3c: {  	_ = 	snop  }
0x3d: {  	v2 =	vadd.f32 v2, v3;
	_ =	sdelay $0x1  }
0x3e: {  	[tilespmem:s16+$0x7680] =	vst v2  }
0x3f: {  	s15 =	simm.s32 @!p0 $0x0;
	s16 =	simm.s32 @!p0 $0x7680;
	s14 =	sadd.s32 $0x1, s14  }
0x40: {  	[hbm4b:s6+s15] =	stream.linear.scatter @!p0 [tilespmem:s16], [sflag:$0x1], $0x280, $0x38;
	[tilespmem:$0xA380] =	vst v63  }
0x41: {  	p1 =	sne.s32 s14, s7  }
.Ltmp4:
0x42: {  	_ = 	snop;
	(pc) =	sbr.rel @p1 .LBB2_1-.Ltmp4, $4  }
0x43: {  	s15 =	simm.s32 @!p0 $0x1  }
0x44: {  	_ =	swait.ge @!p0 [sflag:s15], $0x280  }
0x45: {  	[sflag:s15] =	ssyncset.done @!p0 $0x0  }
0x46: {  	[sflag:s15] =	ssyncadd.s32 @!p0 $0xFFFFFD80  }
0x47: {  	_ =	sfence.sel $0x180000  }
0x48: {  	[bflag:$0x0] =	sbarrier.arrive $0xFFFF  }
0x49: {  	p0 =	sne.s32 s1, $0x0;
	_ =	strace $0x90000047  }
0x4a: {  	s0 =	sadd.s32 @!p0 $0x100000, s0;
	[bflag:$0x2] =	sbarrier.arrive $0xFFFF  }
0x4b: {  	[sflag:s0] =	ssyncadd.tile.s32 @!p0 $0x1;
	_ =	shalt  }
.Lfunc_end2:
_tile_overlayer_lowered:
.L_overlay_start_2:
0x4c: {  	(tag) =	ssettag $0x2  }
0x4d: {  	s0 =	rddreg [dreg:$0x0];
	s2 =	stileid.u32  }
0x4e: {  	s1 =	rddreg [dreg:$0x1];
	p0 =	sne.s32 s2, $0x0  }
0x4f: {  	s3 =	rddreg [dreg:$0x2];
	[bflag:$0x3] =	sbarrier.arrive $0xFFFF;
	s2 =	simm.s32 @!p0 $0x1C01  }
0x50: {  	[timem:s3], [sflag:s2] =	dma.local @!p0 [hbm:s0], s1  }
0x51: {  	s0 =	simm.s32 @!p0 $0x1  }
0x52: {  	_ =	swait.ge @!p0 [sflag:s0], s1  }
0x53: {  	s1 =	ssub.s32 @!p0 $0x0, s1;
	[sflag:s0] =	ssyncset.done @!p0 $0x0  }
0x54: {  	[sflag:s0] =	ssyncadd.s32 @!p0 s1  }
0x55: {  	[bflag:$0x3] =	sbarrier.arrive $0xFFFF  }
0x56: {  	_ =	shalt  }

</sc_bundles>
